<compile_context>
chip_gen: v7x
topology: tpu7x:2x2x1
jax: 0.10.2.dev20260603
libtpu: 0.0.44.dev20260713+nightly
codegen_flags: <defaults>
</compile_context>

<pallas_src>
import functools

import jax
import jax.numpy as jnp
from jax import lax
from jax.experimental import pallas as pl
from jax.experimental.pallas import tpu as pltpu
from jax.experimental.pallas import tpu_sc as plsc

_SLEN = 64
_L = 16

_LN2 = 0.6931471805599453
_SQRT2 = 1.4142135623730951


def _vlog(x):
    bits = lax.bitcast_convert_type(x, jnp.int32)
    e = lax.shift_right_logical(bits, 23) - 127
    m_bits = jnp.bitwise_or(
        jnp.bitwise_and(bits, jnp.int32(0x007FFFFF)), jnp.int32(0x3F800000)
    )
    m = lax.bitcast_convert_type(m_bits, jnp.float32)
    big = m > jnp.float32(_SQRT2)
    m = jnp.where(big, m * jnp.float32(0.5), m)
    e = jnp.where(big, e + 1, e)
    t = (m - jnp.float32(1.0)) / (m + jnp.float32(1.0))
    t2 = t * t
    p = jnp.float32(2.0) + t2 * (
        jnp.float32(2.0 / 3.0)
        + t2 * (jnp.float32(2.0 / 5.0) + t2 * jnp.float32(2.0 / 7.0))
    )
    return t * p + e.astype(jnp.float32) * jnp.float32(_LN2)


_mesh = plsc.VectorSubcoreMesh(
    core_axis_name="c", subcore_axis_name="s", num_cores=1, num_subcores=1
)


@functools.partial(
    pl.kernel,
    out_type=jax.ShapeDtypeStruct((_L,), jnp.float32),
    mesh=_mesh,
    scratch_types=[
        pltpu.VMEM((_SLEN,), jnp.int32),
        pltpu.VMEM((_SLEN,), jnp.int32),
        pltpu.VMEM((_SLEN,), jnp.float32),
        pltpu.VMEM((2 * _L,), jnp.float32),
        pltpu.VMEM((_L,), jnp.float32),
        pltpu.SemaphoreType.DMA,
    ],
)
def _sc_gather_logmean(probs_hbm, oid_hbm, out_hbm, oid_v, idx_v, gat_v, red_v, out_v, sem):
    cid = lax.axis_index("c")
    sid = lax.axis_index("s")

    @pl.when(jnp.logical_and(cid == 0, sid == 0))
    def _():
        pltpu.sync_copy(oid_hbm, oid_v)
        for j in range(_SLEN // _L):
            i = lax.iota(jnp.int32, _L) + (j * _L)
            oid = oid_v[pl.ds(j * _L, _L)]
            idx_v[pl.ds(j * _L, _L)] = (
                (i + 1) * 2048000
                + lax.shift_right_logical(i, 3) * 256000
                + lax.shift_right_logical(oid, 7) * 1024
                + jnp.bitwise_and(i, 7) * 128
                + jnp.bitwise_and(oid, 127)
            )
        pltpu.async_copy(probs_hbm.at[idx_v], gat_v, sem).wait()
        acc = jnp.zeros((_L,), jnp.float32)
        for j in range(_SLEN // _L):
            acc = acc + _vlog(gat_v[pl.ds(j * _L, _L)])
        cur = acc
        for sh in (8, 4, 2, 1):
            red_v[pl.ds(0, _L)] = cur
            red_v[pl.ds(_L, _L)] = cur
            cur = cur + red_v[pl.ds(sh, _L)]
        out_v[...] = cur * jnp.float32(1.0 / _SLEN)
        pltpu.sync_copy(out_v, out_hbm)


def kernel(probs, origids):
    tiled = probs.reshape(65, 8, 8, 250, 128).transpose(0, 1, 3, 2, 4)
    flat = tiled.reshape(-1)
    oid = origids.astype(jnp.int32)
    out = _sc_gather_logmean(flat, oid)
    return out[0]

# --- scband reference (transcript-rebuilt; emitter-appended) ---
"""Pipeline reference for scband-pll-scoring-method-55911884259417 (READ-ONLY COPY).

The authoritative reference and input builder live on the scoring server;
editing this copy changes nothing except your own understanding.
"""

import jax, jax.numpy as jnp
import numpy as np


def setup_inputs(seed: int = 0) -> dict:
    key = jax.random.key(seed)
    k1, k2 = jax.random.split(key)
    probs = jax.random.uniform(k1, (65, 64, 32000), dtype=jnp.float32, minval=1e-6, maxval=1.0)
    origids = jax.random.randint(k2, (64,), 0, 32000, dtype=jnp.int64 if jax.config.jax_enable_x64 else jnp.int32)
    return {"probs": probs, "origids": origids}


def reference(probs, origids):
    # slen = len(probs) - 1
    slen = probs.shape[0] - 1
    # probs[1:].gather(-1, origids.unsqueeze(0).repeat(slen,1).unsqueeze(-1)).squeeze(-1)
    idx = jnp.broadcast_to(origids[None, :, None], (slen, origids.shape[0], 1))
    gathered = jnp.take_along_axis(probs[1:], idx, axis=-1).squeeze(-1)  # [slen, slen]
    # torch.diag(matrix, diagonal=0) -> extract main diagonal
    dia = jnp.diagonal(gathered)  # [slen]
    # prob = mean(log(dia))
    prob = jnp.mean(jnp.log(dia), axis=-1)
    return prob

if __name__ == "__main__":
    import jax
    _d = setup_inputs()
    print(jax.jit(kernel)(*tuple(_d.values())))

</pallas_src>

<mosaic_0001>
#map = affine_map<(d0, d1) -> (0)>
module attributes {stable_mosaic.version = 14 : i64} {
  func.func @_sc_gather_logmean(%arg0: i32, %arg1: i32, %arg2: memref<133120000xf32, #tpu.memory_space<hbm>>, %arg3: memref<64xi32, #tpu.memory_space<hbm>>, %arg4: memref<16xf32, #tpu.memory_space<hbm>>, %arg5: memref<64xi32, #tpu.memory_space<vmem>>, %arg6: memref<64xi32, #tpu.memory_space<vmem>>, %arg7: memref<64xf32, #tpu.memory_space<vmem>>, %arg8: memref<32xf32, #tpu.memory_space<vmem>>, %arg9: memref<16xf32, #tpu.memory_space<vmem>>, %arg10: memref<!tpu.dma_semaphore, #tpu.memory_space<semaphore_mem>>) attributes {dimension_semantics = [#tpu.dimension_semantics<core_parallel>, #tpu.dimension_semantics<subcore_parallel>], iteration_bounds = array<i64: 1, 1>, scalar_prefetch = 0 : i64, scratch_operands = 6 : i64, tpu.core_type = #tpu.core_type<sc_vector_subcore>, window_params = [{transform_indices = #map}, {transform_indices = #map}, {transform_indices = #map}]} {
    %eq3A = arith.constant 0 : i32
    %eq3A_0 = arith.cmpi eq, %arg0, %eq3A : i32
    %eq3A_1 = arith.constant 0 : i32
    %eq3A_2 = arith.cmpi eq, %arg1, %eq3A_1 : i32
    %and3A = arith.andi %eq3A_0, %eq3A_2 : i1
    %convert_element_type3A = arith.extui %and3A : i1 to i32
    %cond3A = arith.constant 0 : i32
    %cond3A_3 = arith.cmpi ne, %convert_element_type3A, %cond3A : i32
    scf.if %cond3A_3 {
      "tpu.region"() ({
        %run_scoped3A = tpu.sem_alloc : memref<!tpu.dma_semaphore, #tpu.memory_space<semaphore_mem>>
        tpu.enqueue_dma source(%arg3 : memref<64xi32, #tpu.memory_space<hbm>>) target(%arg5 : memref<64xi32, #tpu.memory_space<vmem>>) target_semaphore(%run_scoped3A : memref<!tpu.dma_semaphore, #tpu.memory_space<semaphore_mem>>)
        tpu.wait_dma2 semaphore(%run_scoped3A : memref<!tpu.dma_semaphore, #tpu.memory_space<semaphore_mem>>) src(%arg3 : memref<64xi32, #tpu.memory_space<hbm>>) dst(%arg5 : memref<64xi32, #tpu.memory_space<vmem>>)
        tpu.yield
      }) : () -> ()
      %iota3A = tpu.iota {dimensions = array<i32: 0>} : vector<16xi32>
      %add3A = arith.constant 0 : i32
      %add3A_4 = vector.broadcast %add3A : i32 to vector<16xi32>
      %add3A_5 = arith.addi %iota3A, %add3A_4 : vector<16xi32>
      %get3A = arith.constant 0 : index
      %get3A_6 = tpu.vector_load %arg5[%get3A] {strides = array<i32>} : memref<64xi32, #tpu.memory_space<vmem>>, vector<16xi32>,
      %get3A_7 = vector.shape_cast %get3A_6 : vector<16xi32> to vector<16xi32>
      %add3A_8 = arith.constant 1 : i32
      %add3A_9 = vector.broadcast %add3A_8 : i32 to vector<16xi32>
      %add3A_10 = arith.addi %add3A_5, %add3A_9 : vector<16xi32>
      %mul3A = arith.constant 2048000 : i32
      %mul3A_11 = vector.broadcast %mul3A : i32 to vector<16xi32>
      %mul3A_12 = arith.muli %add3A_10, %mul3A_11 : vector<16xi32>
      %shift_right_logical3A = arith.constant 3 : i32
      %shift_right_logical3A_13 = vector.broadcast %shift_right_logical3A : i32 to vector<16xi32>
      %shift_right_logical3A_14 = arith.shrui %add3A_5, %shift_right_logical3A_13 : vector<16xi32>
      %mul3A_15 = arith.constant 256000 : i32
      %mul3A_16 = vector.broadcast %mul3A_15 : i32 to vector<16xi32>
      %mul3A_17 = arith.muli %shift_right_logical3A_14, %mul3A_16 : vector<16xi32>
      %add3A_18 = arith.addi %mul3A_12, %mul3A_17 : vector<16xi32>
      %shift_right_logical3A_19 = arith.constant 7 : i32
      %shift_right_logical3A_20 = vector.broadcast %shift_right_logical3A_19 : i32 to vector<16xi32>
      %shift_right_logical3A_21 = arith.shrui %get3A_7, %shift_right_logical3A_20 : vector<16xi32>
      %mul3A_22 = arith.constant 1024 : i32
      %mul3A_23 = vector.broadcast %mul3A_22 : i32 to vector<16xi32>
      %mul3A_24 = arith.muli %shift_right_logical3A_21, %mul3A_23 : vector<16xi32>
      %add3A_25 = arith.addi %add3A_18, %mul3A_24 : vector<16xi32>
      %and3A_26 = arith.constant 7 : i32
      %and3A_27 = vector.broadcast %and3A_26 : i32 to vector<16xi32>
      %and3A_28 = arith.andi %add3A_5, %and3A_27 : vector<16xi32>
      %mul3A_29 = arith.constant 128 : i32
      %mul3A_30 = vector.broadcast %mul3A_29 : i32 to vector<16xi32>
      %mul3A_31 = arith.muli %and3A_28, %mul3A_30 : vector<16xi32>
      %add3A_32 = arith.addi %add3A_25, %mul3A_31 : vector<16xi32>
      %and3A_33 = arith.constant 127 : i32
      %and3A_34 = vector.broadcast %and3A_33 : i32 to vector<16xi32>
      %and3A_35 = arith.andi %get3A_7, %and3A_34 : vector<16xi32>
      %add3A_36 = arith.addi %add3A_32, %and3A_35 : vector<16xi32>
      %swap3A = arith.constant 0 : index
      %swap3A_37 = tpu.vector_load %arg6[%swap3A] {strides = array<i32>} : memref<64xi32, #tpu.memory_space<vmem>>, vector<16xi32>,
      %swap3A_38 = vector.shape_cast %swap3A_37 : vector<16xi32> to vector<16xi32>
      %swap3A_39 = vector.shape_cast %add3A_36 : vector<16xi32> to vector<16xi32>
      tpu.vector_store %arg6[%swap3A], %swap3A_39 {strides = array<i32>} : memref<64xi32, #tpu.memory_space<vmem>>, vector<16xi32>,
      %iota3A_40 = tpu.iota {dimensions = array<i32: 0>} : vector<16xi32>
      %add3A_41 = arith.constant 16 : i32
      %add3A_42 = vector.broadcast %add3A_41 : i32 to vector<16xi32>
      %add3A_43 = arith.addi %iota3A_40, %add3A_42 : vector<16xi32>
      %get3A_44 = arith.constant 16 : index
      %get3A_45 = tpu.vector_load %arg5[%get3A_44] {strides = array<i32>} : memref<64xi32, #tpu.memory_space<vmem>>, vector<16xi32>,
      %get3A_46 = vector.shape_cast %get3A_45 : vector<16xi32> to vector<16xi32>
      %add3A_47 = arith.constant 1 : i32
      %add3A_48 = vector.broadcast %add3A_47 : i32 to vector<16xi32>
      %add3A_49 = arith.addi %add3A_43, %add3A_48 : vector<16xi32>
      %mul3A_50 = arith.constant 2048000 : i32
      %mul3A_51 = vector.broadcast %mul3A_50 : i32 to vector<16xi32>
      %mul3A_52 = arith.muli %add3A_49, %mul3A_51 : vector<16xi32>
      %shift_right_logical3A_53 = arith.constant 3 : i32
      %shift_right_logical3A_54 = vector.broadcast %shift_right_logical3A_53 : i32 to vector<16xi32>
      %shift_right_logical3A_55 = arith.shrui %add3A_43, %shift_right_logical3A_54 : vector<16xi32>
      %mul3A_56 = arith.constant 256000 : i32
      %mul3A_57 = vector.broadcast %mul3A_56 : i32 to vector<16xi32>
      %mul3A_58 = arith.muli %shift_right_logical3A_55, %mul3A_57 : vector<16xi32>
      %add3A_59 = arith.addi %mul3A_52, %mul3A_58 : vector<16xi32>
      %shift_right_logical3A_60 = arith.constant 7 : i32
      %shift_right_logical3A_61 = vector.broadcast %shift_right_logical3A_60 : i32 to vector<16xi32>
      %shift_right_logical3A_62 = arith.shrui %get3A_46, %shift_right_logical3A_61 : vector<16xi32>
      %mul3A_63 = arith.constant 1024 : i32
      %mul3A_64 = vector.broadcast %mul3A_63 : i32 to vector<16xi32>
      %mul3A_65 = arith.muli %shift_right_logical3A_62, %mul3A_64 : vector<16xi32>
      %add3A_66 = arith.addi %add3A_59, %mul3A_65 : vector<16xi32>
      %and3A_67 = arith.constant 7 : i32
      %and3A_68 = vector.broadcast %and3A_67 : i32 to vector<16xi32>
      %and3A_69 = arith.andi %add3A_43, %and3A_68 : vector<16xi32>
      %mul3A_70 = arith.constant 128 : i32
      %mul3A_71 = vector.broadcast %mul3A_70 : i32 to vector<16xi32>
      %mul3A_72 = arith.muli %and3A_69, %mul3A_71 : vector<16xi32>
      %add3A_73 = arith.addi %add3A_66, %mul3A_72 : vector<16xi32>
      %and3A_74 = arith.constant 127 : i32
      %and3A_75 = vector.broadcast %and3A_74 : i32 to vector<16xi32>
      %and3A_76 = arith.andi %get3A_46, %and3A_75 : vector<16xi32>
      %add3A_77 = arith.addi %add3A_73, %and3A_76 : vector<16xi32>
      %swap3A_78 = arith.constant 16 : index
      %swap3A_79 = tpu.vector_load %arg6[%swap3A_78] {strides = array<i32>} : memref<64xi32, #tpu.memory_space<vmem>>, vector<16xi32>,
      %swap3A_80 = vector.shape_cast %swap3A_79 : vector<16xi32> to vector<16xi32>
      %swap3A_81 = vector.shape_cast %add3A_77 : vector<16xi32> to vector<16xi32>
      tpu.vector_store %arg6[%swap3A_78], %swap3A_81 {strides = array<i32>} : memref<64xi32, #tpu.memory_space<vmem>>, vector<16xi32>,
      %iota3A_82 = tpu.iota {dimensions = array<i32: 0>} : vector<16xi32>
      %add3A_83 = arith.constant 32 : i32
      %add3A_84 = vector.broadcast %add3A_83 : i32 to vector<16xi32>
      %add3A_85 = arith.addi %iota3A_82, %add3A_84 : vector<16xi32>
      %get3A_86 = arith.constant 32 : index
      %get3A_87 = tpu.vector_load %arg5[%get3A_86] {strides = array<i32>} : memref<64xi32, #tpu.memory_space<vmem>>, vector<16xi32>,
      %get3A_88 = vector.shape_cast %get3A_87 : vector<16xi32> to vector<16xi32>
      %add3A_89 = arith.constant 1 : i32
      %add3A_90 = vector.broadcast %add3A_89 : i32 to vector<16xi32>
      %add3A_91 = arith.addi %add3A_85, %add3A_90 : vector<16xi32>
      %mul3A_92 = arith.constant 2048000 : i32
      %mul3A_93 = vector.broadcast %mul3A_92 : i32 to vector<16xi32>
      %mul3A_94 = arith.muli %add3A_91, %mul3A_93 : vector<16xi32>
      %shift_right_logical3A_95 = arith.constant 3 : i32
      %shift_right_logical3A_96 = vector.broadcast %shift_right_logical3A_95 : i32 to vector<16xi32>
      %shift_right_logical3A_97 = arith.shrui %add3A_85, %shift_right_logical3A_96 : vector<16xi32>
      %mul3A_98 = arith.constant 256000 : i32
      %mul3A_99 = vector.broadcast %mul3A_98 : i32 to vector<16xi32>
      %mul3A_100 = arith.muli %shift_right_logical3A_97, %mul3A_99 : vector<16xi32>
      %add3A_101 = arith.addi %mul3A_94, %mul3A_100 : vector<16xi32>
      %shift_right_logical3A_102 = arith.constant 7 : i32
      %shift_right_logical3A_103 = vector.broadcast %shift_right_logical3A_102 : i32 to vector<16xi32>
      %shift_right_logical3A_104 = arith.shrui %get3A_88, %shift_right_logical3A_103 : vector<16xi32>
      %mul3A_105 = arith.constant 1024 : i32
      %mul3A_106 = vector.broadcast %mul3A_105 : i32 to vector<16xi32>
      %mul3A_107 = arith.muli %shift_right_logical3A_104, %mul3A_106 : vector<16xi32>
      %add3A_108 = arith.addi %add3A_101, %mul3A_107 : vector<16xi32>
      %and3A_109 = arith.constant 7 : i32
      %and3A_110 = vector.broadcast %and3A_109 : i32 to vector<16xi32>
      %and3A_111 = arith.andi %add3A_85, %and3A_110 : vector<16xi32>
      %mul3A_112 = arith.constant 128 : i32
      %mul3A_113 = vector.broadcast %mul3A_112 : i32 to vector<16xi32>
      %mul3A_114 = arith.muli %and3A_111, %mul3A_113 : vector<16xi32>
      %add3A_115 = arith.addi %add3A_108, %mul3A_114 : vector<16xi32>
      %and3A_116 = arith.constant 127 : i32
      %and3A_117 = vector.broadcast %and3A_116 : i32 to vector<16xi32>
      %and3A_118 = arith.andi %get3A_88, %and3A_117 : vector<16xi32>
      %add3A_119 = arith.addi %add3A_115, %and3A_118 : vector<16xi32>
      %swap3A_120 = arith.constant 32 : index
      %swap3A_121 = tpu.vector_load %arg6[%swap3A_120] {strides = array<i32>} : memref<64xi32, #tpu.memory_space<vmem>>, vector<16xi32>,
      %swap3A_122 = vector.shape_cast %swap3A_121 : vector<16xi32> to vector<16xi32>
      %swap3A_123 = vector.shape_cast %add3A_119 : vector<16xi32> to vector<16xi32>
      tpu.vector_store %arg6[%swap3A_120], %swap3A_123 {strides = array<i32>} : memref<64xi32, #tpu.memory_space<vmem>>, vector<16xi32>,
      %iota3A_124 = tpu.iota {dimensions = array<i32: 0>} : vector<16xi32>
      %add3A_125 = arith.constant 48 : i32
      %add3A_126 = vector.broadcast %add3A_125 : i32 to vector<16xi32>
      %add3A_127 = arith.addi %iota3A_124, %add3A_126 : vector<16xi32>
      %get3A_128 = arith.constant 48 : index
      %get3A_129 = tpu.vector_load %arg5[%get3A_128] {strides = array<i32>} : memref<64xi32, #tpu.memory_space<vmem>>, vector<16xi32>,
      %get3A_130 = vector.shape_cast %get3A_129 : vector<16xi32> to vector<16xi32>
      %add3A_131 = arith.constant 1 : i32
      %add3A_132 = vector.broadcast %add3A_131 : i32 to vector<16xi32>
      %add3A_133 = arith.addi %add3A_127, %add3A_132 : vector<16xi32>
      %mul3A_134 = arith.constant 2048000 : i32
      %mul3A_135 = vector.broadcast %mul3A_134 : i32 to vector<16xi32>
      %mul3A_136 = arith.muli %add3A_133, %mul3A_135 : vector<16xi32>
      %shift_right_logical3A_137 = arith.constant 3 : i32
      %shift_right_logical3A_138 = vector.broadcast %shift_right_logical3A_137 : i32 to vector<16xi32>
      %shift_right_logical3A_139 = arith.shrui %add3A_127, %shift_right_logical3A_138 : vector<16xi32>
      %mul3A_140 = arith.constant 256000 : i32
      %mul3A_141 = vector.broadcast %mul3A_140 : i32 to vector<16xi32>
      %mul3A_142 = arith.muli %shift_right_logical3A_139, %mul3A_141 : vector<16xi32>
      %add3A_143 = arith.addi %mul3A_136, %mul3A_142 : vector<16xi32>
      %shift_right_logical3A_144 = arith.constant 7 : i32
      %shift_right_logical3A_145 = vector.broadcast %shift_right_logical3A_144 : i32 to vector<16xi32>
      %shift_right_logical3A_146 = arith.shrui %get3A_130, %shift_right_logical3A_145 : vector<16xi32>
      %mul3A_147 = arith.constant 1024 : i32
      %mul3A_148 = vector.broadcast %mul3A_147 : i32 to vector<16xi32>
      %mul3A_149 = arith.muli %shift_right_logical3A_146, %mul3A_148 : vector<16xi32>
      %add3A_150 = arith.addi %add3A_143, %mul3A_149 : vector<16xi32>
      %and3A_151 = arith.constant 7 : i32
      %and3A_152 = vector.broadcast %and3A_151 : i32 to vector<16xi32>
      %and3A_153 = arith.andi %add3A_127, %and3A_152 : vector<16xi32>
      %mul3A_154 = arith.constant 128 : i32
      %mul3A_155 = vector.broadcast %mul3A_154 : i32 to vector<16xi32>
      %mul3A_156 = arith.muli %and3A_153, %mul3A_155 : vector<16xi32>
      %add3A_157 = arith.addi %add3A_150, %mul3A_156 : vector<16xi32>
      %and3A_158 = arith.constant 127 : i32
      %and3A_159 = vector.broadcast %and3A_158 : i32 to vector<16xi32>
      %and3A_160 = arith.andi %get3A_130, %and3A_159 : vector<16xi32>
      %add3A_161 = arith.addi %add3A_157, %and3A_160 : vector<16xi32>
      %swap3A_162 = arith.constant 48 : index
      %swap3A_163 = tpu.vector_load %arg6[%swap3A_162] {strides = array<i32>} : memref<64xi32, #tpu.memory_space<vmem>>, vector<16xi32>,
      %swap3A_164 = vector.shape_cast %swap3A_163 : vector<16xi32> to vector<16xi32>
      %swap3A_165 = vector.shape_cast %add3A_161 : vector<16xi32> to vector<16xi32>
      tpu.vector_store %arg6[%swap3A_162], %swap3A_165 {strides = array<i32>} : memref<64xi32, #tpu.memory_space<vmem>>, vector<16xi32>,
      %dma_start3A = arith.constant 0 : i32
      %dma_start3A_166 = tpu.memref_slice %arg2[%dma_start3A] : memref<133120000xf32, #tpu.memory_space<hbm>> -> memref<133120000xf32, #tpu.memory_space<hbm>>
      tpu.enqueue_indirect_dma source(%dma_start3A_166 : memref<133120000xf32, #tpu.memory_space<hbm>>) target(%arg7 : memref<64xf32, #tpu.memory_space<vmem>>) offsets(%arg6 : memref<64xi32, #tpu.memory_space<vmem>>) semaphore(%arg10 : memref<!tpu.dma_semaphore, #tpu.memory_space<semaphore_mem>>)
      %dma_wait3A = arith.constant 0 : i32
      %dma_wait3A_167 = tpu.memref_slice %arg2[%dma_wait3A] : memref<133120000xf32, #tpu.memory_space<hbm>> -> memref<133120000xf32, #tpu.memory_space<hbm>>
      tpu.wait_indirect_dma semaphore(%arg10 : memref<!tpu.dma_semaphore, #tpu.memory_space<semaphore_mem>>) src(%dma_wait3A_167 : memref<133120000xf32, #tpu.memory_space<hbm>>) dst(%arg7 : memref<64xf32, #tpu.memory_space<vmem>>)
      %broadcast_in_dim3A = arith.constant 0.000000e+00 : f32
      %broadcast_in_dim3A_168 = vector.broadcast %broadcast_in_dim3A : f32 to vector<16xf32>
      %get3A_169 = arith.constant 0 : index
      %get3A_170 = tpu.vector_load %arg7[%get3A_169] {strides = array<i32>} : memref<64xf32, #tpu.memory_space<vmem>>, vector<16xf32>,
      %get3A_171 = vector.shape_cast %get3A_170 : vector<16xf32> to vector<16xf32>
      %bitcast_convert_type3A = tpu.bitcast %get3A_171 : vector<16xf32> -> vector<16xi32>
      %shift_right_logical3A_172 = arith.constant 23 : i32
      %shift_right_logical3A_173 = vector.broadcast %shift_right_logical3A_172 : i32 to vector<16xi32>
      %shift_right_logical3A_174 = arith.shrui %bitcast_convert_type3A, %shift_right_logical3A_173 : vector<16xi32>
      %sub3A = arith.constant 127 : i32
      %sub3A_175 = vector.broadcast %sub3A : i32 to vector<16xi32>
      %sub3A_176 = arith.subi %shift_right_logical3A_174, %sub3A_175 : vector<16xi32>
      %and3A_177 = arith.constant 8388607 : i32
      %and3A_178 = vector.broadcast %and3A_177 : i32 to vector<16xi32>
      %and3A_179 = arith.andi %bitcast_convert_type3A, %and3A_178 : vector<16xi32>
      %or3A = arith.constant 1065353216 : i32
      %or3A_180 = vector.broadcast %or3A : i32 to vector<16xi32>
      %or3A_181 = arith.ori %and3A_179, %or3A_180 : vector<16xi32>
      %bitcast_convert_type3A_182 = tpu.bitcast %or3A_181 : vector<16xi32> -> vector<16xf32>
      %gt3A = arith.constant 1.41421354 : f32
      %gt3A_183 = vector.broadcast %gt3A : f32 to vector<16xf32>
      %gt3A_184 = arith.cmpf ogt, %bitcast_convert_type3A_182, %gt3A_183 : vector<16xf32>
      %mul3A_185 = arith.constant 5.000000e-01 : f32
      %mul3A_186 = vector.broadcast %mul3A_185 : f32 to vector<16xf32>
      %mul3A_187 = arith.mulf %bitcast_convert_type3A_182, %mul3A_186 : vector<16xf32>
      %select_n3A = arith.select %gt3A_184, %mul3A_187, %bitcast_convert_type3A_182 : vector<16xi1>, vector<16xf32>
      %add3A_188 = arith.constant 1 : i32
      %add3A_189 = vector.broadcast %add3A_188 : i32 to vector<16xi32>
      %add3A_190 = arith.addi %sub3A_176, %add3A_189 : vector<16xi32>
      %select_n3A_191 = arith.select %gt3A_184, %add3A_190, %sub3A_176 : vector<16xi1>, vector<16xi32>
      %sub3A_192 = arith.constant 1.000000e+00 : f32
      %sub3A_193 = vector.broadcast %sub3A_192 : f32 to vector<16xf32>
      %sub3A_194 = arith.subf %select_n3A, %sub3A_193 : vector<16xf32>
      %add3A_195 = arith.constant 1.000000e+00 : f32
      %add3A_196 = vector.broadcast %add3A_195 : f32 to vector<16xf32>
      %add3A_197 = arith.addf %select_n3A, %add3A_196 : vector<16xf32>
      %div3A = arith.divf %sub3A_194, %add3A_197 : vector<16xf32>
      %mul3A_198 = arith.mulf %div3A, %div3A : vector<16xf32>
      %mul3A_199 = arith.constant 0.285714298 : f32
      %mul3A_200 = vector.broadcast %mul3A_199 : f32 to vector<16xf32>
      %mul3A_201 = arith.mulf %mul3A_198, %mul3A_200 : vector<16xf32>
      %add3A_202 = arith.constant 4.000000e-01 : f32
      %add3A_203 = vector.broadcast %add3A_202 : f32 to vector<16xf32>
      %add3A_204 = arith.addf %add3A_203, %mul3A_201 : vector<16xf32>
      %mul3A_205 = arith.mulf %mul3A_198, %add3A_204 : vector<16xf32>
      %add3A_206 = arith.constant 0.666666686 : f32
      %add3A_207 = vector.broadcast %add3A_206 : f32 to vector<16xf32>
      %add3A_208 = arith.addf %add3A_207, %mul3A_205 : vector<16xf32>
      %mul3A_209 = arith.mulf %mul3A_198, %add3A_208 : vector<16xf32>
      %add3A_210 = arith.constant 2.000000e+00 : f32
      %add3A_211 = vector.broadcast %add3A_210 : f32 to vector<16xf32>
      %add3A_212 = arith.addf %add3A_211, %mul3A_209 : vector<16xf32>
      %mul3A_213 = arith.mulf %div3A, %add3A_212 : vector<16xf32>
      %convert_element_type3A_214 = arith.sitofp %select_n3A_191 : vector<16xi32> to vector<16xf32>
      %mul3A_215 = arith.constant 0.693147182 : f32
      %mul3A_216 = vector.broadcast %mul3A_215 : f32 to vector<16xf32>
      %mul3A_217 = arith.mulf %convert_element_type3A_214, %mul3A_216 : vector<16xf32>
      %add3A_218 = arith.addf %mul3A_213, %mul3A_217 : vector<16xf32>
      %add3A_219 = arith.addf %broadcast_in_dim3A_168, %add3A_218 : vector<16xf32>
      %get3A_220 = arith.constant 16 : index
      %get3A_221 = tpu.vector_load %arg7[%get3A_220] {strides = array<i32>} : memref<64xf32, #tpu.memory_space<vmem>>, vector<16xf32>,
      %get3A_222 = vector.shape_cast %get3A_221 : vector<16xf32> to vector<16xf32>
      %bitcast_convert_type3A_223 = tpu.bitcast %get3A_222 : vector<16xf32> -> vector<16xi32>
      %shift_right_logical3A_224 = arith.constant 23 : i32
      %shift_right_logical3A_225 = vector.broadcast %shift_right_logical3A_224 : i32 to vector<16xi32>
      %shift_right_logical3A_226 = arith.shrui %bitcast_convert_type3A_223, %shift_right_logical3A_225 : vector<16xi32>
      %sub3A_227 = arith.constant 127 : i32
      %sub3A_228 = vector.broadcast %sub3A_227 : i32 to vector<16xi32>
      %sub3A_229 = arith.subi %shift_right_logical3A_226, %sub3A_228 : vector<16xi32>
      %and3A_230 = arith.constant 8388607 : i32
      %and3A_231 = vector.broadcast %and3A_230 : i32 to vector<16xi32>
      %and3A_232 = arith.andi %bitcast_convert_type3A_223, %and3A_231 : vector<16xi32>
      %or3A_233 = arith.constant 1065353216 : i32
      %or3A_234 = vector.broadcast %or3A_233 : i32 to vector<16xi32>
      %or3A_235 = arith.ori %and3A_232, %or3A_234 : vector<16xi32>
      %bitcast_convert_type3A_236 = tpu.bitcast %or3A_235 : vector<16xi32> -> vector<16xf32>
      %gt3A_237 = arith.constant 1.41421354 : f32
      %gt3A_238 = vector.broadcast %gt3A_237 : f32 to vector<16xf32>
      %gt3A_239 = arith.cmpf ogt, %bitcast_convert_type3A_236, %gt3A_238 : vector<16xf32>
      %mul3A_240 = arith.constant 5.000000e-01 : f32
      %mul3A_241 = vector.broadcast %mul3A_240 : f32 to vector<16xf32>
      %mul3A_242 = arith.mulf %bitcast_convert_type3A_236, %mul3A_241 : vector<16xf32>
      %select_n3A_243 = arith.select %gt3A_239, %mul3A_242, %bitcast_convert_type3A_236 : vector<16xi1>, vector<16xf32>
      %add3A_244 = arith.constant 1 : i32
      %add3A_245 = vector.broadcast %add3A_244 : i32 to vector<16xi32>
      %add3A_246 = arith.addi %sub3A_229, %add3A_245 : vector<16xi32>
      %select_n3A_247 = arith.select %gt3A_239, %add3A_246, %sub3A_229 : vector<16xi1>, vector<16xi32>
      %sub3A_248 = arith.constant 1.000000e+00 : f32
      %sub3A_249 = vector.broadcast %sub3A_248 : f32 to vector<16xf32>
      %sub3A_250 = arith.subf %select_n3A_243, %sub3A_249 : vector<16xf32>
      %add3A_251 = arith.constant 1.000000e+00 : f32
      %add3A_252 = vector.broadcast %add3A_251 : f32 to vector<16xf32>
      %add3A_253 = arith.addf %select_n3A_243, %add3A_252 : vector<16xf32>
      %div3A_254 = arith.divf %sub3A_250, %add3A_253 : vector<16xf32>
      %mul3A_255 = arith.mulf %div3A_254, %div3A_254 : vector<16xf32>
      %mul3A_256 = arith.constant 0.285714298 : f32
      %mul3A_257 = vector.broadcast %mul3A_256 : f32 to vector<16xf32>
      %mul3A_258 = arith.mulf %mul3A_255, %mul3A_257 : vector<16xf32>
      %add3A_259 = arith.constant 4.000000e-01 : f32
      %add3A_260 = vector.broadcast %add3A_259 : f32 to vector<16xf32>
      %add3A_261 = arith.addf %add3A_260, %mul3A_258 : vector<16xf32>
      %mul3A_262 = arith.mulf %mul3A_255, %add3A_261 : vector<16xf32>
      %add3A_263 = arith.constant 0.666666686 : f32
      %add3A_264 = vector.broadcast %add3A_263 : f32 to vector<16xf32>
      %add3A_265 = arith.addf %add3A_264, %mul3A_262 : vector<16xf32>
      %mul3A_266 = arith.mulf %mul3A_255, %add3A_265 : vector<16xf32>
      %add3A_267 = arith.constant 2.000000e+00 : f32
      %add3A_268 = vector.broadcast %add3A_267 : f32 to vector<16xf32>
      %add3A_269 = arith.addf %add3A_268, %mul3A_266 : vector<16xf32>
      %mul3A_270 = arith.mulf %div3A_254, %add3A_269 : vector<16xf32>
      %convert_element_type3A_271 = arith.sitofp %select_n3A_247 : vector<16xi32> to vector<16xf32>
      %mul3A_272 = arith.constant 0.693147182 : f32
      %mul3A_273 = vector.broadcast %mul3A_272 : f32 to vector<16xf32>
      %mul3A_274 = arith.mulf %convert_element_type3A_271, %mul3A_273 : vector<16xf32>
      %add3A_275 = arith.addf %mul3A_270, %mul3A_274 : vector<16xf32>
      %add3A_276 = arith.addf %add3A_219, %add3A_275 : vector<16xf32>
      %get3A_277 = arith.constant 32 : index
      %get3A_278 = tpu.vector_load %arg7[%get3A_277] {strides = array<i32>} : memref<64xf32, #tpu.memory_space<vmem>>, vector<16xf32>,
      %get3A_279 = vector.shape_cast %get3A_278 : vector<16xf32> to vector<16xf32>
      %bitcast_convert_type3A_280 = tpu.bitcast %get3A_279 : vector<16xf32> -> vector<16xi32>
      %shift_right_logical3A_281 = arith.constant 23 : i32
      %shift_right_logical3A_282 = vector.broadcast %shift_right_logical3A_281 : i32 to vector<16xi32>
      %shift_right_logical3A_283 = arith.shrui %bitcast_convert_type3A_280, %shift_right_logical3A_282 : vector<16xi32>
      %sub3A_284 = arith.constant 127 : i32
      %sub3A_285 = vector.broadcast %sub3A_284 : i32 to vector<16xi32>
      %sub3A_286 = arith.subi %shift_right_logical3A_283, %sub3A_285 : vector<16xi32>
      %and3A_287 = arith.constant 8388607 : i32
      %and3A_288 = vector.broadcast %and3A_287 : i32 to vector<16xi32>
      %and3A_289 = arith.andi %bitcast_convert_type3A_280, %and3A_288 : vector<16xi32>
      %or3A_290 = arith.constant 1065353216 : i32
      %or3A_291 = vector.broadcast %or3A_290 : i32 to vector<16xi32>
      %or3A_292 = arith.ori %and3A_289, %or3A_291 : vector<16xi32>
      %bitcast_convert_type3A_293 = tpu.bitcast %or3A_292 : vector<16xi32> -> vector<16xf32>
      %gt3A_294 = arith.constant 1.41421354 : f32
      %gt3A_295 = vector.broadcast %gt3A_294 : f32 to vector<16xf32>
      %gt3A_296 = arith.cmpf ogt, %bitcast_convert_type3A_293, %gt3A_295 : vector<16xf32>
      %mul3A_297 = arith.constant 5.000000e-01 : f32
      %mul3A_298 = vector.broadcast %mul3A_297 : f32 to vector<16xf32>
      %mul3A_299 = arith.mulf %bitcast_convert_type3A_293, %mul3A_298 : vector<16xf32>
      %select_n3A_300 = arith.select %gt3A_296, %mul3A_299, %bitcast_convert_type3A_293 : vector<16xi1>, vector<16xf32>
      %add3A_301 = arith.constant 1 : i32
      %add3A_302 = vector.broadcast %add3A_301 : i32 to vector<16xi32>
      %add3A_303 = arith.addi %sub3A_286, %add3A_302 : vector<16xi32>
      %select_n3A_304 = arith.select %gt3A_296, %add3A_303, %sub3A_286 : vector<16xi1>, vector<16xi32>
      %sub3A_305 = arith.constant 1.000000e+00 : f32
      %sub3A_306 = vector.broadcast %sub3A_305 : f32 to vector<16xf32>
      %sub3A_307 = arith.subf %select_n3A_300, %sub3A_306 : vector<16xf32>
      %add3A_308 = arith.constant 1.000000e+00 : f32
      %add3A_309 = vector.broadcast %add3A_308 : f32 to vector<16xf32>
      %add3A_310 = arith.addf %select_n3A_300, %add3A_309 : vector<16xf32>
      %div3A_311 = arith.divf %sub3A_307, %add3A_310 : vector<16xf32>
      %mul3A_312 = arith.mulf %div3A_311, %div3A_311 : vector<16xf32>
      %mul3A_313 = arith.constant 0.285714298 : f32
      %mul3A_314 = vector.broadcast %mul3A_313 : f32 to vector<16xf32>
      %mul3A_315 = arith.mulf %mul3A_312, %mul3A_314 : vector<16xf32>
      %add3A_316 = arith.constant 4.000000e-01 : f32
      %add3A_317 = vector.broadcast %add3A_316 : f32 to vector<16xf32>
      %add3A_318 = arith.addf %add3A_317, %mul3A_315 : vector<16xf32>
      %mul3A_319 = arith.mulf %mul3A_312, %add3A_318 : vector<16xf32>
      %add3A_320 = arith.constant 0.666666686 : f32
      %add3A_321 = vector.broadcast %add3A_320 : f32 to vector<16xf32>
      %add3A_322 = arith.addf %add3A_321, %mul3A_319 : vector<16xf32>
      %mul3A_323 = arith.mulf %mul3A_312, %add3A_322 : vector<16xf32>
      %add3A_324 = arith.constant 2.000000e+00 : f32
      %add3A_325 = vector.broadcast %add3A_324 : f32 to vector<16xf32>
      %add3A_326 = arith.addf %add3A_325, %mul3A_323 : vector<16xf32>
      %mul3A_327 = arith.mulf %div3A_311, %add3A_326 : vector<16xf32>
      %convert_element_type3A_328 = arith.sitofp %select_n3A_304 : vector<16xi32> to vector<16xf32>
      %mul3A_329 = arith.constant 0.693147182 : f32
      %mul3A_330 = vector.broadcast %mul3A_329 : f32 to vector<16xf32>
      %mul3A_331 = arith.mulf %convert_element_type3A_328, %mul3A_330 : vector<16xf32>
      %add3A_332 = arith.addf %mul3A_327, %mul3A_331 : vector<16xf32>
      %add3A_333 = arith.addf %add3A_276, %add3A_332 : vector<16xf32>
      %get3A_334 = arith.constant 48 : index
      %get3A_335 = tpu.vector_load %arg7[%get3A_334] {strides = array<i32>} : memref<64xf32, #tpu.memory_space<vmem>>, vector<16xf32>,
      %get3A_336 = vector.shape_cast %get3A_335 : vector<16xf32> to vector<16xf32>
      %bitcast_convert_type3A_337 = tpu.bitcast %get3A_336 : vector<16xf32> -> vector<16xi32>
      %shift_right_logical3A_338 = arith.constant 23 : i32
      %shift_right_logical3A_339 = vector.broadcast %shift_right_logical3A_338 : i32 to vector<16xi32>
      %shift_right_logical3A_340 = arith.shrui %bitcast_convert_type3A_337, %shift_right_logical3A_339 : vector<16xi32>
      %sub3A_341 = arith.constant 127 : i32
      %sub3A_342 = vector.broadcast %sub3A_341 : i32 to vector<16xi32>
      %sub3A_343 = arith.subi %shift_right_logical3A_340, %sub3A_342 : vector<16xi32>
      %and3A_344 = arith.constant 8388607 : i32
      %and3A_345 = vector.broadcast %and3A_344 : i32 to vector<16xi32>
      %and3A_346 = arith.andi %bitcast_convert_type3A_337, %and3A_345 : vector<16xi32>
      %or3A_347 = arith.constant 1065353216 : i32
      %or3A_348 = vector.broadcast %or3A_347 : i32 to vector<16xi32>
      %or3A_349 = arith.ori %and3A_346, %or3A_348 : vector<16xi32>
      %bitcast_convert_type3A_350 = tpu.bitcast %or3A_349 : vector<16xi32> -> vector<16xf32>
      %gt3A_351 = arith.constant 1.41421354 : f32
      %gt3A_352 = vector.broadcast %gt3A_351 : f32 to vector<16xf32>
      %gt3A_353 = arith.cmpf ogt, %bitcast_convert_type3A_350, %gt3A_352 : vector<16xf32>
      %mul3A_354 = arith.constant 5.000000e-01 : f32
      %mul3A_355 = vector.broadcast %mul3A_354 : f32 to vector<16xf32>
      %mul3A_356 = arith.mulf %bitcast_convert_type3A_350, %mul3A_355 : vector<16xf32>
      %select_n3A_357 = arith.select %gt3A_353, %mul3A_356, %bitcast_convert_type3A_350 : vector<16xi1>, vector<16xf32>
      %add3A_358 = arith.constant 1 : i32
      %add3A_359 = vector.broadcast %add3A_358 : i32 to vector<16xi32>
      %add3A_360 = arith.addi %sub3A_343, %add3A_359 : vector<16xi32>
      %select_n3A_361 = arith.select %gt3A_353, %add3A_360, %sub3A_343 : vector<16xi1>, vector<16xi32>
      %sub3A_362 = arith.constant 1.000000e+00 : f32
      %sub3A_363 = vector.broadcast %sub3A_362 : f32 to vector<16xf32>
      %sub3A_364 = arith.subf %select_n3A_357, %sub3A_363 : vector<16xf32>
      %add3A_365 = arith.constant 1.000000e+00 : f32
      %add3A_366 = vector.broadcast %add3A_365 : f32 to vector<16xf32>
      %add3A_367 = arith.addf %select_n3A_357, %add3A_366 : vector<16xf32>
      %div3A_368 = arith.divf %sub3A_364, %add3A_367 : vector<16xf32>
      %mul3A_369 = arith.mulf %div3A_368, %div3A_368 : vector<16xf32>
      %mul3A_370 = arith.constant 0.285714298 : f32
      %mul3A_371 = vector.broadcast %mul3A_370 : f32 to vector<16xf32>
      %mul3A_372 = arith.mulf %mul3A_369, %mul3A_371 : vector<16xf32>
      %add3A_373 = arith.constant 4.000000e-01 : f32
      %add3A_374 = vector.broadcast %add3A_373 : f32 to vector<16xf32>
      %add3A_375 = arith.addf %add3A_374, %mul3A_372 : vector<16xf32>
      %mul3A_376 = arith.mulf %mul3A_369, %add3A_375 : vector<16xf32>
      %add3A_377 = arith.constant 0.666666686 : f32
      %add3A_378 = vector.broadcast %add3A_377 : f32 to vector<16xf32>
      %add3A_379 = arith.addf %add3A_378, %mul3A_376 : vector<16xf32>
      %mul3A_380 = arith.mulf %mul3A_369, %add3A_379 : vector<16xf32>
      %add3A_381 = arith.constant 2.000000e+00 : f32
      %add3A_382 = vector.broadcast %add3A_381 : f32 to vector<16xf32>
      %add3A_383 = arith.addf %add3A_382, %mul3A_380 : vector<16xf32>
      %mul3A_384 = arith.mulf %div3A_368, %add3A_383 : vector<16xf32>
      %convert_element_type3A_385 = arith.sitofp %select_n3A_361 : vector<16xi32> to vector<16xf32>
      %mul3A_386 = arith.constant 0.693147182 : f32
      %mul3A_387 = vector.broadcast %mul3A_386 : f32 to vector<16xf32>
      %mul3A_388 = arith.mulf %convert_element_type3A_385, %mul3A_387 : vector<16xf32>
      %add3A_389 = arith.addf %mul3A_384, %mul3A_388 : vector<16xf32>
      %add3A_390 = arith.addf %add3A_333, %add3A_389 : vector<16xf32>
      %swap3A_391 = arith.constant 0 : index
      %swap3A_392 = tpu.vector_load %arg8[%swap3A_391] {strides = array<i32>} : memref<32xf32, #tpu.memory_space<vmem>>, vector<16xf32>,
      %swap3A_393 = vector.shape_cast %swap3A_392 : vector<16xf32> to vector<16xf32>
      %swap3A_394 = vector.shape_cast %add3A_390 : vector<16xf32> to vector<16xf32>
      tpu.vector_store %arg8[%swap3A_391], %swap3A_394 {strides = array<i32>} : memref<32xf32, #tpu.memory_space<vmem>>, vector<16xf32>,
      %swap3A_395 = arith.constant 16 : index
      %swap3A_396 = tpu.vector_load %arg8[%swap3A_395] {strides = array<i32>} : memref<32xf32, #tpu.memory_space<vmem>>, vector<16xf32>,
      %swap3A_397 = vector.shape_cast %swap3A_396 : vector<16xf32> to vector<16xf32>
      %swap3A_398 = vector.shape_cast %add3A_390 : vector<16xf32> to vector<16xf32>
      tpu.vector_store %arg8[%swap3A_395], %swap3A_398 {strides = array<i32>} : memref<32xf32, #tpu.memory_space<vmem>>, vector<16xf32>,
      %get3A_399 = arith.constant 8 : index
      %get3A_400 = tpu.vector_load %arg8[%get3A_399] {strides = array<i32>} : memref<32xf32, #tpu.memory_space<vmem>>, vector<16xf32>,
      %get3A_401 = vector.shape_cast %get3A_400 : vector<16xf32> to vector<16xf32>
      %add3A_402 = arith.addf %add3A_390, %get3A_401 : vector<16xf32>
      %swap3A_403 = arith.constant 0 : index
      %swap3A_404 = tpu.vector_load %arg8[%swap3A_403] {strides = array<i32>} : memref<32xf32, #tpu.memory_space<vmem>>, vector<16xf32>,
      %swap3A_405 = vector.shape_cast %swap3A_404 : vector<16xf32> to vector<16xf32>
      %swap3A_406 = vector.shape_cast %add3A_402 : vector<16xf32> to vector<16xf32>
      tpu.vector_store %arg8[%swap3A_403], %swap3A_406 {strides = array<i32>} : memref<32xf32, #tpu.memory_space<vmem>>, vector<16xf32>,
      %swap3A_407 = arith.constant 16 : index
      %swap3A_408 = tpu.vector_load %arg8[%swap3A_407] {strides = array<i32>} : memref<32xf32, #tpu.memory_space<vmem>>, vector<16xf32>,
      %swap3A_409 = vector.shape_cast %swap3A_408 : vector<16xf32> to vector<16xf32>
      %swap3A_410 = vector.shape_cast %add3A_402 : vector<16xf32> to vector<16xf32>
      tpu.vector_store %arg8[%swap3A_407], %swap3A_410 {strides = array<i32>} : memref<32xf32, #tpu.memory_space<vmem>>, vector<16xf32>,
      %get3A_411 = arith.constant 4 : index
      %get3A_412 = tpu.vector_load %arg8[%get3A_411] {strides = array<i32>} : memref<32xf32, #tpu.memory_space<vmem>>, vector<16xf32>,
      %get3A_413 = vector.shape_cast %get3A_412 : vector<16xf32> to vector<16xf32>
      %add3A_414 = arith.addf %add3A_402, %get3A_413 : vector<16xf32>
      %swap3A_415 = arith.constant 0 : index
      %swap3A_416 = tpu.vector_load %arg8[%swap3A_415] {strides = array<i32>} : memref<32xf32, #tpu.memory_space<vmem>>, vector<16xf32>,
      %swap3A_417 = vector.shape_cast %swap3A_416 : vector<16xf32> to vector<16xf32>
      %swap3A_418 = vector.shape_cast %add3A_414 : vector<16xf32> to vector<16xf32>
      tpu.vector_store %arg8[%swap3A_415], %swap3A_418 {strides = array<i32>} : memref<32xf32, #tpu.memory_space<vmem>>, vector<16xf32>,
      %swap3A_419 = arith.constant 16 : index
      %swap3A_420 = tpu.vector_load %arg8[%swap3A_419] {strides = array<i32>} : memref<32xf32, #tpu.memory_space<vmem>>, vector<16xf32>,
      %swap3A_421 = vector.shape_cast %swap3A_420 : vector<16xf32> to vector<16xf32>
      %swap3A_422 = vector.shape_cast %add3A_414 : vector<16xf32> to vector<16xf32>
      tpu.vector_store %arg8[%swap3A_419], %swap3A_422 {strides = array<i32>} : memref<32xf32, #tpu.memory_space<vmem>>, vector<16xf32>,
      %get3A_423 = arith.constant 2 : index
      %get3A_424 = tpu.vector_load %arg8[%get3A_423] {strides = array<i32>} : memref<32xf32, #tpu.memory_space<vmem>>, vector<16xf32>,
      %get3A_425 = vector.shape_cast %get3A_424 : vector<16xf32> to vector<16xf32>
      %add3A_426 = arith.addf %add3A_414, %get3A_425 : vector<16xf32>
      %swap3A_427 = arith.constant 0 : index
      %swap3A_428 = tpu.vector_load %arg8[%swap3A_427] {strides = array<i32>} : memref<32xf32, #tpu.memory_space<vmem>>, vector<16xf32>,
      %swap3A_429 = vector.shape_cast %swap3A_428 : vector<16xf32> to vector<16xf32>
      %swap3A_430 = vector.shape_cast %add3A_426 : vector<16xf32> to vector<16xf32>
      tpu.vector_store %arg8[%swap3A_427], %swap3A_430 {strides = array<i32>} : memref<32xf32, #tpu.memory_space<vmem>>, vector<16xf32>,
      %swap3A_431 = arith.constant 16 : index
      %swap3A_432 = tpu.vector_load %arg8[%swap3A_431] {strides = array<i32>} : memref<32xf32, #tpu.memory_space<vmem>>, vector<16xf32>,
      %swap3A_433 = vector.shape_cast %swap3A_432 : vector<16xf32> to vector<16xf32>
      %swap3A_434 = vector.shape_cast %add3A_426 : vector<16xf32> to vector<16xf32>
      tpu.vector_store %arg8[%swap3A_431], %swap3A_434 {strides = array<i32>} : memref<32xf32, #tpu.memory_space<vmem>>, vector<16xf32>,
      %get3A_435 = arith.constant 1 : index
      %get3A_436 = tpu.vector_load %arg8[%get3A_435] {strides = array<i32>} : memref<32xf32, #tpu.memory_space<vmem>>, vector<16xf32>,
      %get3A_437 = vector.shape_cast %get3A_436 : vector<16xf32> to vector<16xf32>
      %add3A_438 = arith.addf %add3A_426, %get3A_437 : vector<16xf32>
      %mul3A_439 = arith.constant 1.562500e-02 : f32
      %mul3A_440 = vector.broadcast %mul3A_439 : f32 to vector<16xf32>
      %mul3A_441 = arith.mulf %add3A_438, %mul3A_440 : vector<16xf32>
      %swap3A_442 = arith.constant 0 : index
      %swap3A_443 = tpu.vector_load %arg9[%swap3A_442] {strides = array<i32>} : memref<16xf32, #tpu.memory_space<vmem>>, vector<16xf32>,
      %swap3A_444 = vector.shape_cast %swap3A_443 : vector<16xf32> to vector<16xf32>
      %swap3A_445 = vector.shape_cast %mul3A_441 : vector<16xf32> to vector<16xf32>
      tpu.vector_store %arg9[%swap3A_442], %swap3A_445 {strides = array<i32>} : memref<16xf32, #tpu.memory_space<vmem>>, vector<16xf32>,
      "tpu.region"() ({
        %run_scoped3A = tpu.sem_alloc : memref<!tpu.dma_semaphore, #tpu.memory_space<semaphore_mem>>
        tpu.enqueue_dma source(%arg9 : memref<16xf32, #tpu.memory_space<vmem>>) target(%arg4 : memref<16xf32, #tpu.memory_space<hbm>>) target_semaphore(%run_scoped3A : memref<!tpu.dma_semaphore, #tpu.memory_space<semaphore_mem>>)
        tpu.wait_dma2 semaphore(%run_scoped3A : memref<!tpu.dma_semaphore, #tpu.memory_space<semaphore_mem>>) src(%arg9 : memref<16xf32, #tpu.memory_space<vmem>>) dst(%arg4 : memref<16xf32, #tpu.memory_space<hbm>>)
        tpu.yield
      }) : () -> ()
    } else {
    }
    return
  }
}

</mosaic_0001>

<sc_bundles>
// kernel: kernel.3.cloned.1.call-start
scs
__scs_entry_jumppad:
0x0: {  	(pc) =	sbr.rel $0x88, $3  }
0x1: {  	(tag) =	ssettag $0x0;
	lr =	simm.s32 $0x1  }
0x2: {  	[smem:$0x3F9F] =	sst lr;
	_ =	strace $0xD0000000  }
0x3: {  	_ = 	snop  }
0x4: {  	_ = 	snop  }
0x5: {  	_ = 	snop  }
0x6: {  	_ = 	snop  }
0x7: {  	_ = 	snop  }
__scs_overlays_trampoline_lowered:
0x8: {  	[smem:$0x3FAE] =	sst s0  }
0x9: {  	[smem:$0x3FAF] =	sst s1  }
0xa: {  	[smem:$0x3FB0] =	sst s2  }
0xb: {  	[smem:$0x3FB1] =	sst s3  }
0xc: {  	[smem:$0x3FB2] =	sst s4  }
0xd: {  	[smem:$0x3FB3] =	sst s5  }
0xe: {  	[smem:$0x3FB4] =	sst s6  }
0xf: {  	[smem:$0x3FB5] =	sst s7  }
0x10: {  	[smem:$0x3FB6] =	sst s8  }
0x11: {  	[smem:$0x3FB7] =	sst s9;
	s0 =	simm.s32 @!p0 $0x0  }
0x12: {  	s1 =	sld [smem:$0x3F9D];
	s0 =	simm.s32 @p0 $0x1  }
0x13: {  	[smem:$0x3FB8] =	sst s0;
	s0 =	simm.s32 @!p1 $0x0  }
0x14: {  	s2 =	sld [smem:$0x3F9C];
	s0 =	simm.s32 @p1 $0x1  }
0x15: {  	[smem:$0x3FB9] =	sst s0;
	s0 =	simm.s32 @!p2 $0x0  }
0x16: {  	s3 =	sld [smem:$0x3FDB];
	s0 =	simm.s32 @p2 $0x1  }
0x17: {  	s4 =	simm.s32 $0x1BF5;
	[smem:$0x3FBB] =	sst s0  }
0x18: {  	s0 =	sld [smem:$0x3F9E];
	_ =	swait.ge [sflag:s4], $0x0  }
0x19: {  	s7 =	sld [smem:$0x3F9F]  }
0x1a: {  	s8 =	sadd.s32 $0xFFFFE003, lr  }
0x1b: {  	s9 =	sadd.s32 $0xFFFFFEF7, lr;
	s5 =	simm.s32 $0xFFFFFFFF;
	p2 =	slt.u32 s8, $0xFFFFF086  }
0x1c: {  	p1 =	slt.u32 s9, $0xF7A;
	s5 =	simm.s32 @!p2 $0x0  }
0x1d: {  	s5 =	simm.s32 @p1 $0x1;
	p0 =	seq.s32 s7, s2  }
0x1e: {  	s7 =	smul.u32 @!p0 $0xF7A, s2;
	p2 =	seq.s32 @!p0 s5, $0x0  }
0x1f: {  	s9 =	smul.u32 $0xF7A, s1;
	s8 =	simm.s32 @!p0 $0x1BF5;
	p2 =	por !p2, p0  }
0x20: {  	[sflag:s8] =	ssyncset.s32 @!p0 $0xFFFFF086;
	s6 =	sadd.s32 @!p0 s3, s7;
	s7 =	simm.s32 @!p0 $0x108  }
0x21: {  	s3 =	sadd.s32 s3, s9;
	s6 =	sadd.s32 @!p0 $0x88, s6;
	s7 =	simm.s32 @p2 $0x1082  }
0x22: {  	[simem:s7], [sflag:s8] =	dma.local @!p0 [hbm:s6], $0xF7A  }
0x23: {  	s9 =	sor.u32 $0xD0000000, s2;
	s6 =	simm.s32 $0x108;
	_ =	swait.ge @!p0 [sflag:s8], $0x0  }
0x24: {  	s3 =	sadd.s32 $0x88, s3;
	s6 =	simm.s32 @!p1 $0x1082;
	[sflag:s4] =	ssyncset.s32 $0xFFFFF086  }
0x25: {  	[simem:s6], [sflag:s4] =	dma.local [hbm:s3], $0xF7A  }
0x26: {  	[smem:$0x3F9F] =	sst s1;
	(tag) =	ssettag s2;
	_ =	strace s9  }
0x27: {  	s1 =	sld [smem:$0x3FAF]  }
0x28: {  	s2 =	sld [smem:$0x3FB0]  }
0x29: {  	s4 =	sld [smem:$0x3FB2]  }
0x2a: {  	p0 =	seq.s32 s5, $0x0;
	s5 =	sld [smem:$0x3FB3]  }
0x2b: {  	s6 =	sld [smem:$0x3FB4]  }
0x2c: {  	s7 =	sld [smem:$0x3FB5]  }
0x2d: {  	s3 =	simm.s32 $0x108;
	s8 =	sld [smem:$0x3FB6]  }
0x2e: {  	s3 =	simm.s32 @!p0 $0x1082;
	s9 =	sld [smem:$0x3FB7]  }
0x2f: {  	lr =	sadd.s32 s0, s3;
	s0 =	sld [smem:$0x3FAE]  }
0x30: {  	s3 =	sld [smem:$0x3FB1]  }
0x31: {  	[smem:$0x3FBA] =	sst s10  }
0x32: {  	s10 =	sld [smem:$0x3FB8];
	_ =	sdelay $0x3  }
0x33: {  	p0 =	seq.s32 s10, $0x1;
	s10 =	sld [smem:$0x3FBA];
	_ =	sdelay $0x3  }
0x34: {  	[smem:$0x3FBA] =	sst s10  }
0x35: {  	s10 =	sld [smem:$0x3FB9];
	_ =	sdelay $0x3  }
0x36: {  	p1 =	seq.s32 s10, $0x1;
	s10 =	sld [smem:$0x3FBA];
	_ =	sdelay $0x3  }
0x37: {  	[smem:$0x3FBA] =	sst s10  }
0x38: {  	s10 =	sld [smem:$0x3FBB]  }
0x39: {  	_ = 	snop;
	(pc) =	sbr.ind lr, $3  }
0x3a: {  	_ = 	snop  }
0x3b: {  	_ = 	snop  }
0x3c: {  	p2 =	seq.s32 s10, $0x1;
	s10 =	sld [smem:$0x3FBA]  }
0x3d: {  	_ =	shalt  }
0x3e: {  	_ =	shalt  }
0x3f: {  	_ =	shalt  }
0x40: {  	_ =	shalt  }
0x41: {  	_ =	shalt  }
0x42: {  	_ =	shalt  }
0x43: {  	_ =	shalt  }
0x44: {  	_ =	shalt  }
0x45: {  	_ =	shalt  }
0x46: {  	_ =	shalt  }
0x47: {  	_ =	shalt  }
0x48: {  	_ =	shalt  }
0x49: {  	_ =	shalt  }
0x4a: {  	_ =	shalt  }
0x4b: {  	_ =	shalt  }
0x4c: {  	_ =	shalt  }
0x4d: {  	_ =	shalt  }
0x4e: {  	_ =	shalt  }
0x4f: {  	_ =	shalt  }
0x50: {  	_ =	shalt  }
0x51: {  	_ =	shalt  }
0x52: {  	_ =	shalt  }
0x53: {  	_ =	shalt  }
0x54: {  	_ =	shalt  }
0x55: {  	_ =	shalt  }
0x56: {  	_ =	shalt  }
0x57: {  	_ =	shalt  }
0x58: {  	_ =	shalt  }
0x59: {  	_ =	shalt  }
0x5a: {  	_ =	shalt  }
0x5b: {  	_ =	shalt  }
0x5c: {  	_ =	shalt  }
0x5d: {  	_ =	shalt  }
0x5e: {  	_ =	shalt  }
0x5f: {  	_ =	shalt  }
0x60: {  	_ =	shalt  }
0x61: {  	_ =	shalt  }
0x62: {  	_ =	shalt  }
0x63: {  	_ =	shalt  }
0x64: {  	_ =	shalt  }
0x65: {  	_ =	shalt  }
0x66: {  	_ =	shalt  }
0x67: {  	_ =	shalt  }
0x68: {  	_ =	shalt  }
0x69: {  	_ =	shalt  }
0x6a: {  	_ =	shalt  }
0x6b: {  	_ =	shalt  }
0x6c: {  	_ =	shalt  }
0x6d: {  	_ =	shalt  }
0x6e: {  	_ =	shalt  }
0x6f: {  	_ =	shalt  }
0x70: {  	_ =	shalt  }
0x71: {  	_ =	shalt  }
0x72: {  	_ =	shalt  }
0x73: {  	_ =	shalt  }
0x74: {  	_ =	shalt  }
0x75: {  	_ =	shalt  }
0x76: {  	_ =	shalt  }
0x77: {  	_ =	shalt  }
0x78: {  	_ =	shalt  }
0x79: {  	_ =	shalt  }
0x7a: {  	_ =	shalt  }
0x7b: {  	_ =	shalt  }
0x7c: {  	_ =	shalt  }
0x7d: {  	_ =	shalt  }
0x7e: {  	_ =	shalt  }
0x7f: {  	_ =	shalt  }
0x80: {  	_ =	shalt  }
0x81: {  	_ =	shalt  }
0x82: {  	_ =	shalt  }
0x83: {  	_ =	shalt  }
0x84: {  	_ =	shalt  }
0x85: {  	_ =	shalt  }
0x86: {  	_ =	shalt  }
0x87: {  	_ =	shalt  }
.Lfunc_end0:
.L_simem_size_0:
called_computation_lowered:
.L_overlay_start_0:
0x88: {  	s0 =	sld [smem:$0x3FD9]  }
0x89: {  	s1 =	sld [smem:$0x3FFE];
	_ =	sdelay $0x3  }
0x8a: {  	s0 =	sadd.s32 s1, s0  }
0x8b: {  	[smem:$0x3FC6] =	sst s0  }
0x8c: {  	_ = 	snop  }
0x8d: {  	s0 =	sld [smem:$0x3FC9]  }
0x8e: {  	s17 =	sld [smem:$0x3FC8]  }
0x8f: {  	s2 =	sld [smem:$0x3FD0];
	(tm) =	ssettm $0x1  }
0x90: {  	s3 =	sld [smem:$0x3FFB];
	_ =	sdelay $0x3  }
0x91: {  	_ =	strace s3  }
0x92: {  	s3 =	sld [smem:$0x3FFC];
	_ =	sdelay $0x3  }
0x93: {  	_ =	strace s3  }
0x94: {  	s3 =	sld [smem:$0x3FFD];
	_ =	sdelay $0x3  }
0x95: {  	_ =	strace s3  }
0x96: {  	_ =	strace $0x8FFFFFFF  }
0x97: {  	s18 =	sld [smem:$0x3FDB];
	_ =	sdelay $0x1  }
0x98: {  	s4 =	simm.s32 $_scs_section_size  }
0x99: {  	s5 =	simm.s32 $_size__tile_overlayer_lowered;
	s6 =	simm.s32 $_tile_overlayer_lowered  }
0x9a: {  	s21 =	simm.s32 $0x1BFF;
	s20 =	sshll.u32 s6, $0x1;
	s3 =	sadd.s32 s4, s18  }
0x9b: {  	s7 =	simm.s32 $0x0;
	s19 =	sshll.u32 s5, $0x1;
	s5 =	sadd.s32 s20, s3  }
0x9c: {  	[timem:s7], [sflag:s21] =	dma.local [hbm:s5], s19  }
0x9d: {  	_ =	swait.ge [sflag:s21], s19  }
0x9e: {  	s4 =	ssub.s32 $0x0, s19;
	[sflag:s21] =	ssyncset.done $0x0  }
0x9f: {  	[sflag:s21] =	ssyncadd.s32 s4;
	_ =	sdelay $0x1  }
0xa0: {  	s22 =	simm.s32 $0x1B8B  }
0xa1: {  	_ =	swait.ge [sflag:s22], $0x1  }
0xa2: {  	[sflag:s22] =	ssyncset.done $0x0  }
0xa3: {  	s23 =	simm.s32 $0x1B8E;
	[sflag:s22] =	ssyncadd.s32 $0xFFFFFFFF  }
0xa4: {  	s24 =	simm.s32 $execute0_lowered;
	[smem:$0x3FD2] =	sst s23  }
0xa5: {  	s4 =	sshll.u32 s24, $0x1;
	_ =	strace $0x80000046;
	[dreg:$0x1] =	wrdreg $0xFFFFFFFF  }
0xa6: {  	s25 =	simm.s32 $_size_execute0_lowered;
	s3 =	sadd.s32 s3, s4;
	[dreg:$0x0] =	wrdreg $0x0  }
0xa7: {  	s4 =	sshll.u32 s25, $0x1;
	[dreg:$0x2] =	wrdreg s3  }
0xa8: {  	[dreg:$0x3] =	wrdreg s4  }
0xa9: {  	[dreg:$0x4] =	wrdreg $0xC0  }
0xaa: {  	_ =	task [dreg:s7], $0x5FFFF  }
0xab: {  	[dreg:$0x1] =	wrdreg $0xFFFFFFFF  }
0xac: {  	[dreg:$0x0] =	wrdreg $0x60  }
0xad: {  	[dreg:$0x2] =	wrdreg s0  }
0xae: {  	[dreg:$0x3] =	wrdreg s17  }
0xaf: {  	[dreg:$0x4] =	wrdreg s2  }
0xb0: {  	[dreg:$0x5] =	wrdreg $0x9  }
0xb1: {  	_ =	task.clear_ibuf [dreg:s7], $0x6FFFF;
	_ =	strace $0x90000046  }
0xb2: {  	s26 =	simm.s32 $0x9;
	_ =	strace $0x80000048  }
0xb3: {  	_ =	swait.ge [sflag:s26], $0x1  }
0xb4: {  	[sflag:s26] =	ssyncadd.s32 $0xFFFFFFFF  }
0xb5: {  	_ =	strace $0x90000048  }
0xb6: {  	_ =	sfence  }
0xb7: {  	s28 =	sld [smem:$0x0];
	_ =	sdelay $0x1  }
0xb8: {  	s29 =	srdreg.scid  }
0xb9: {  	s30 =	sshll.u32 s29, $0xD;
	s31 =	sshrl.u32 s29, $0x2  }
0xba: {  	s1 =	sand.u32 $0x1, s29;
	s2 =	sand.u32 $0x4000, s30;
	s0 =	sadd.s32 s31, s28  }
0xbb: {  	s1 =	sor.u32 s2, s1;
	s0 =	sshll.u32 s0, $0x11  }
0xbc: {  	s0 =	sor.u32 s0, s1  }
0xbd: {  	s0 =	sadd.s32 $0x8F2B, s0  }
0xbe: {  	[sflag:s0] =	ssyncadd.remote.s32 $0x1  }
0xbf: {  	_ =	sfence.sel $0xFFFF  }
0xc0: {  	[dreg:$0x0] =	wrdreg $0xFFFFFFFF;
	(pc) =	sbr.abs _section_cstart, $3  }
0xc1: {  	[dreg:$0x1] =	wrdreg $0xFFFFFFFF  }
0xc2: {  	_ =	task.clear_ibuf [dreg:s7], $0x2FFFF;
	_ =	strace $0x9FFFFFFF  }
0xc3: {  	(tm) =	ssettm $0x7FFFFFFF  }
tec
execute0_lowered:
.L_overlay_start_1:
0x0: {  	(tag) =	ssettag $0x1  }
0x1: {  	s3 =	stileid.u32  }
0x2: {  	p0 =	sne.s32 s3, $0x0  }
.Ltmp0:
0x3: {  	_ = 	snop;
	(pc) =	sbr.rel @p0 .LBB2_2-.Ltmp0, $4  }
0x4: {  	s4 =	rddreg [dreg:$0x0]  }
0x5: {  	s2 =	rddreg [dreg:$0x1]  }
0x6: {  	s1 =	rddreg [dreg:$0x2]  }
0x7: {  	s0 =	rddreg [dreg:$0x3];
	_ =	strace $0x80000047  }
0x8: {  	v0 =	vimm.s32 $0x1F7EB80;
	vm14 =	vcmask $0x300  }
0x9: {  	vm13 =	vcmask $0x704;
	vm12 =	vcmask $0xB08;
	vm11 =	vcmask $0xF0C  }
0xa: {  	vm10 =	vcmask $0x1310;
	vm9 =	vcmask $0x1714;
	vm8 =	vcmask $0x1B18  }
0xb: {  	s3 =	simm.s32 $0x0;
	s29 =	simm.s32 $0x2;
	vm6 =	vcmask $0x1F1C;
	vm7 =	vcmask $0x2320;
	v3 =	vimm.s32 $0x3F3BB80  }
0xc: {  	vm1 =	vcmask $0x2724;
	vm2 =	vcmask $0x2B28;
	v4 =	vimm.s32 $0x5EF8B80;
	[tilespmem:s3], [sflag:$0x2] =	stream.linear.gather [hbm4b:s2+s3], $0x80, $0x38;
	[tilespmem:$0x280] =	vst v63  }
0xd: {  	v15 =	vimm.s32 $0x7EB5B80;
	v0 =	vsel vm14, $0x1F4000, v0;
	v3 =	vsel vm14, $0x21B1000, v3;
	_ =	swait.ge [sflag:s29], $0x80  }
0xe: {  	v14 =	vsel vm14, $0x416E000, v4;
	v4 =	vsel vm14, $0x612B000, v15;
	v0 =	vsel vm13, $0x3E8080, v0;
	[sflag:s29] =	ssyncset.done $0x0  }
0xf: {  	vm3 =	vcmask $0x2F2C;
	v3 =	vsel vm13, $0x23A5080, v3;
	v4 =	vsel vm13, $0x631F080, v4;
	[sflag:s29] =	ssyncadd.s32 $0xFFFFFF80  }
0x10: {  	v0 =	vsel vm12, $0x5DC100, v0;
	v3 =	vsel vm12, $0x2599100, v3;
	v4 =	vsel vm12, $0x6513100, v4;
	v1 =	vld [tilespmem:$0x0]  }
0x11: {  	vm4 =	vcmask $0x3330;
	v0 =	vsel vm11, $0x7D0180, v0;
	v3 =	vsel vm11, $0x278D180, v3;
	v12 =	vld [tilespmem:$0x10]  }
0x12: {  	vm5 =	vcmask $0x3734;
	v4 =	vsel vm11, $0x6707180, v4;
	v0 =	vsel vm10, $0x9C4200, v0;
	v6 =	vld [tilespmem:$0x20]  }
0x13: {  	vm0 =	vcmask $0x3B38;
	v3 =	vsel vm10, $0x2981200, v3;
	v4 =	vsel vm10, $0x68FB200, v4;
	v16 =	vld [tilespmem:$0x30]  }
0x14: {  	v0 =	vsel vm9, $0xBB8280, v0;
	v3 =	vsel vm9, $0x2B75280, v3;
	v4 =	vsel vm9, $0x6AEF280, v4  }
0x15: {  	v0 =	vsel vm8, $0xDAC300, v0;
	v3 =	vsel vm8, $0x2D69300, v3;
	v4 =	vsel vm8, $0x6CE3300, v4  }
0x16: {  	v0 =	vsel vm6, $0xFA0380, v0;
	v13 =	vsel vm6, $0x2F5D380, v3;
	v3 =	vsel vm13, $0x4362080, v14  }
0x17: {  	v4 =	vsel vm6, $0x6ED7380, v4;
	v0 =	vsel vm7, $0x11D2800, v0;
	v3 =	vsel vm12, $0x4556100, v3  }
0x18: {  	v18 =	vsel vm7, $0x7109800, v4;
	v2 =	vshll.u32 v1, $0x3;
	v0 =	vsel vm1, $0x13C6880, v0  }
0x19: {  	v1 =	vand.u32 $0x7F, v1;
	v3 =	vsel vm11, $0x474A180, v3;
	v5 =	vshll.u32 v12, $0x3  }
0x1a: {  	v19 =	vshll.u32 v6, $0x3;
	v6 =	vand.u32 $0x7F, v6;
	v0 =	vsel vm2, $0x15BA900, v0  }
0x1b: {  	v20 =	vshll.u32 v16, $0x3;
	v3 =	vsel vm10, $0x493E200, v3;
	v0 =	vsel vm3, $0x17AE980, v0  }
0x1c: {  	v2 =	vand.u32 $0xFFFFFC00, v2;
	v3 =	vsel vm9, $0x4B32280, v3;
	v0 =	vsel vm4, $0x19A2A00, v0  }
0x1d: {  	v5 =	vand.u32 $0xFFFFFC00, v5;
	v3 =	vsel vm8, $0x4D26300, v3;
	v0 =	vsel vm5, $0x1B96A80, v0  }
0x1e: {  	v1 =	vor.u32 v1, v2;
	v3 =	vsel vm6, $0x4F1A380, v3;
	v0 =	vsel vm0, $0x1D8AB00, v0  }
0x1f: {  	v3 =	vsel vm7, $0x514C800, v3;
	v0 =	vadd.s32 v0, v1;
	v1 =	vsel vm7, $0x318F800, v13  }
0x20: {  	v4 =	vand.u32 $0xFFFFFC00, v19;
	v3 =	vsel vm1, $0x5340880, v3;
	v1 =	vsel vm1, $0x3383880, v1  }
0x21: {  	v21 =	vand.u32 $0xFFFFFC00, v20;
	v3 =	vsel vm2, $0x5534900, v3;
	v1 =	vsel vm2, $0x3577900, v1  }
0x22: {  	v17 =	vsel vm3, $0x5728980, v3;
	v3 =	vsel vm1, $0x72FD880, v18;
	v1 =	vsel vm3, $0x376B980, v1  }
0x23: {  	v2 =	vand.u32 $0x7F, v12;
	v3 =	vsel vm2, $0x74F1900, v3;
	v1 =	vsel vm4, $0x395FA00, v1  }
0x24: {  	v2 =	vor.u32 v2, v5;
	v3 =	vsel vm3, $0x76E5980, v3;
	v1 =	vsel vm5, $0x3B53A80, v1  }
0x25: {  	v5 =	vand.u32 $0x7F, v16;
	v3 =	vsel vm4, $0x78D9A00, v3;
	v1 =	vsel vm0, $0x3D47B00, v1  }
0x26: {  	v3 =	vsel vm5, $0x7ACDA80, v3;
	v1 =	vadd.s32 v1, v2;
	v2 =	vsel vm4, $0x591CA00, v17  }
0x27: {  	[tilespmem:$0x80] =	vst v0;
	v0 =	vor.u32 v5, v21;
	v23 =	vsel vm0, $0x7CC1B00, v3;
	v2 =	vsel vm5, $0x5B10A80, v2  }
0x28: {  	v4 =	vor.u32 v6, v4;
	[tilespmem:$0x90] =	vst v1;
	v0 =	vadd.s32 v23, v0;
	v2 =	vsel vm0, $0x5D04B00, v2  }
0x29: {  	s5 =	simm.s32 $0x40;
	[tilespmem:$0xB0] =	vst v0;
	v22 =	vadd.s32 v2, v4  }
0x2a: {  	s6 =	simm.s32 $0x80;
	s7 =	simm.s32 $0x100;
	s30 =	simm.s32 $0x1;
	[tilespmem:$0xA0] =	vst v22  }
0x2b: {  	[tilespmem:s7], [sflag:$0x1] =	stream.indirect.gather [hbm4b:s4+s5], $0x1, s6, s5, $0xb8;
	[tilespmem:$0x280] =	vst v63  }
0x2c: {  	_ =	swait.ge [sflag:s30], $0x40  }
0x2d: {  	[sflag:s30] =	ssyncset.done $0x0  }
0x2e: {  	[sflag:s30] =	ssyncadd.s32 $0xFFFFFFC0  }
0x2f: {  	v24 =	vld [tilespmem:$0x100];
	_ =	sdelay $0x1  }
0x30: {  	v25 =	vld [tilespmem:$0x110];
	_ =	sdelay $0x2  }
0x31: {  	v26 =	vand.u32 $0x7FFFFF, v24  }
0x32: {  	v29 =	vld [tilespmem:$0x120];
	v2 =	vor.u32 $0x3F800000, v26  }
0x33: {  	v28 =	vand.u32 $0x7FFFFF, v25;
	v27 =	vmul.f32 $5.000000000e-01, v2  }
0x34: {  	v4 =	vor.u32 $0x3F800000, v28;
	vm12 =	vgt.f32 v2, $1.414213540e+00  }
0x35: {  	v31 =	vld [tilespmem:$0x130];
	v30 =	vmul.f32 $5.000000000e-01, v4;
	v2 =	vsel vm12, v27, v2  }
0x36: {  	vm13 =	vgt.f32 v4, $1.414213540e+00;
	v7 =	vadd.f32 $1.000000000e+00, v2  }
0x37: {  	v32 =	vand.u32 $0x7FFFFF, v29;
	v3 =	vsel vm13, v30, v4  }
0x38: {  	v4 =	vadd.f32 $1.000000000e+00, v3;
	(erf) = vrcp.f32 v7;
	v7 =	vor.u32 $0x3F800000, v32  }
0x39: {  	v33 =	vmul.f32 $5.000000000e-01, v7  }
0x3a: {  	v8 =	vand.u32 $0x7FFFFF, v31;
	(erf) = vrcp.f32 v4;
	vm14 =	vgt.f32 v7, $1.414213540e+00  }
0x3b: {  	v8 =	vor.u32 $0x3F800000, v8;
	v4 =	vsel vm14, v33, v7  }
0x3c: {  	v34 =	vmul.f32 $5.000000000e-01, v8;
	v9 =	vadd.f32 $1.000000000e+00, v4  }
0x3d: {  	vm15 =	vgt.f32 v8, $1.414213540e+00  }
0x3e: {  	v7 =	vsel vm15, v34, v8;
	(erf) = vrcp.f32 v9  }
0x3f: {  	v8 =	vadd.f32 $1.000000000e+00, v7;
	_ =	sdelay $0x1  }
0x40: {  	v2 =	vadd.f32 $-1.000000000e+00, v2;
	v35 =	vpop (erf);
	(erf) = vrcp.f32 v8  }
0x41: {  	v3 =	vadd.f32 $-1.000000000e+00, v3  }
0x42: {  	v2 =	vmul.f32 v35, v2;
	v36 =	vpop (erf)  }
0x43: {  	v3 =	vmul.f32 v36, v3  }
0x44: {  	v9 =	vmul.f32 v2, v2  }
0x45: {  	v4 =	vadd.f32 $-1.000000000e+00, v4;
	v10 =	vmul.f32 v3, v3  }
0x46: {  	v13 =	vimm.s32 $0xFFFFFF81;
	v0 =	vshrl.u32 v24, $0x17;
	v37 =	vmul.f32 $2.857142980e-01, v9;
	v11 =	vpop (erf)  }
0x47: {  	v1 =	vshrl.u32 v25, $0x17;
	v12 =	vmul.f32 $2.857142980e-01, v10;
	v4 =	vmul.f32 v11, v4  }
0x48: {  	v40 =	vsel vm12, $0xFFFFFF82, v13;
	v7 =	vadd.f32 $-1.000000000e+00, v7;
	v8 =	vadd.f32 $4.000000060e-01, v37  }
0x49: {  	v43 =	vsel vm13, $0xFFFFFF82, v13;
	v38 =	vadd.f32 $4.000000060e-01, v12;
	v39 =	vpop (erf);
	v14 =	vmul.f32 v4, v4  }
0x4a: {  	v0 =	vadd.s32 v0, v40;
	v8 =	vmul.f32 v8, v9;
	v7 =	vmul.f32 v39, v7  }
0x4b: {  	v1 =	vadd.s32 v1, v43;
	v11 =	vmul.f32 v38, v10;
	v41 =	vmul.f32 $2.857142980e-01, v14  }
0x4c: {  	v0 =	vcvt.s32.f32 v0;
	v8 =	vadd.f32 $6.666666860e-01, v8;
	v15 =	vmul.f32 v7, v7  }
0x4d: {  	v1 =	vcvt.s32.f32 v1;
	v42 =	vadd.f32 $6.666666860e-01, v11;
	v12 =	vadd.f32 $4.000000060e-01, v41  }
0x4e: {  	v8 =	vmul.f32 v8, v9;
	v16 =	vmul.f32 $2.857142980e-01, v15  }
0x4f: {  	v9 =	vmul.f32 v42, v10;
	v44 =	vmul.f32 v12, v14  }
0x50: {  	v0 =	vmul.f32 $6.931471820e-01, v0;
	v8 =	vadd.f32 $2.000000000e+00, v8;
	v45 =	vadd.f32 $4.000000060e-01, v16  }
0x51: {  	v1 =	vmul.f32 $6.931471820e-01, v1;
	v46 =	vadd.f32 $2.000000000e+00, v9;
	v47 =	vadd.f32 $6.666666860e-01, v44  }
0x52: {  	v51 =	vshrl.u32 v29, $0x17;
	v2 =	vmul.f32 v8, v2;
	v48 =	vmul.f32 v45, v15  }
0x53: {  	v6 =	vshrl.u32 v31, $0x17;
	v3 =	vmul.f32 v46, v3;
	v49 =	vmul.f32 v47, v14  }
0x54: {  	v52 =	vsel vm14, $0xFFFFFF82, v13;
	v0 =	vadd.f32 v2, v0;
	v50 =	vadd.f32 $6.666666860e-01, v48  }
0x55: {  	v1 =	vadd.f32 v3, v1;
	v3 =	vadd.s32 v51, v52;
	v2 =	vadd.f32 $2.000000000e+00, v49  }
0x56: {  	v54 =	vsel vm15, $0xFFFFFF82, v13;
	v3 =	vcvt.s32.f32 v3;
	v53 =	vmul.f32 v50, v15  }
0x57: {  	v55 =	vadd.s32 v6, v54;
	v0 =	vadd.f32 $0.0e+00, v0;
	v2 =	vmul.f32 v2, v4  }
0x58: {  	v3 =	vmul.f32 $6.931471820e-01, v3;
	v4 =	vcvt.s32.f32 v55;
	v5 =	vadd.f32 $2.000000000e+00, v53  }
0x59: {  	v0 =	vadd.f32 v1, v0  }
0x5a: {  	v56 =	vadd.f32 v2, v3;
	v58 =	vmul.f32 $6.931471820e-01, v4;
	v57 =	vmul.f32 v5, v7;
	_ =	sdelay $0x1  }
0x5b: {  	v0 =	vadd.f32 v56, v0;
	v59 =	vadd.f32 v57, v58;
	_ =	sdelay $0x1  }
0x5c: {  	v0 =	vadd.f32 v59, v0;
	_ =	sdelay $0x1  }
0x5d: {  	[tilespmem:$0x180] =	vst v0  }
0x5e: {  	[tilespmem:$0x190] =	vst v0  }
0x5f: {  	v60 =	vld [tilespmem:$0x188];
	_ =	sdelay $0x4  }
0x60: {  	v0 =	vadd.f32 v0, v60;
	_ =	sdelay $0x1  }
0x61: {  	[tilespmem:$0x180] =	vst v0  }
0x62: {  	[tilespmem:$0x190] =	vst v0  }
0x63: {  	v61 =	vld [tilespmem:$0x184];
	_ =	sdelay $0x4  }
0x64: {  	v0 =	vadd.f32 v0, v61;
	_ =	sdelay $0x1  }
0x65: {  	[tilespmem:$0x180] =	vst v0  }
0x66: {  	[tilespmem:$0x190] =	vst v0  }
0x67: {  	v62 =	vld [tilespmem:$0x182];
	_ =	sdelay $0x4  }
0x68: {  	v0 =	vadd.f32 v0, v62;
	_ =	sdelay $0x1  }
0x69: {  	[tilespmem:$0x180] =	vst v0  }
0x6a: {  	[tilespmem:$0x190] =	vst v0  }
0x6b: {  	v63 =	vld [tilespmem:$0x181];
	_ =	sdelay $0x4  }
0x6c: {  	v0 =	vadd.f32 v0, v63;
	_ =	sdelay $0x1  }
0x6d: {  	v0 =	vmul.f32 $1.562500000e-02, v0;
	_ =	sdelay $0x1  }
0x6e: {  	s31 =	simm.s32 $0x200;
	[tilespmem:$0x200] =	vst v0  }
0x6f: {  	[hbm4b:s1+s3] =	stream.linear.scatter [tilespmem:s31], [sflag:$0x2], $0x80, $0x38;
	[tilespmem:$0x280] =	vst v63  }
0x70: {  	_ =	swait.ge [sflag:s29], $0x80  }
0x71: {  	[sflag:s29] =	ssyncset.done $0x0  }
0x72: {  	[sflag:s29] =	ssyncadd.s32 $0xFFFFFF80  }
.LBB2_2:
0x73: {  	_ =	sfence.sel $0x180000  }
0x74: {  	[bflag:$0x0] =	sbarrier.arrive $0xFFFF  }
0x75: {  	_ =	strace $0x90000047  }
0x76: {  	s0 =	sadd.s32 @!p0 $0x100000, s0;
	[bflag:$0x2] =	sbarrier.arrive $0xFFFF  }
0x77: {  	[sflag:s0] =	ssyncadd.tile.s32 @!p0 $0x1;
	_ =	shalt  }
.Lfunc_end2:
_tile_overlayer_lowered:
.L_overlay_start_2:
0x78: {  	(tag) =	ssettag $0x2  }
0x79: {  	s0 =	rddreg [dreg:$0x0];
	s2 =	stileid.u32  }
0x7a: {  	s1 =	rddreg [dreg:$0x1];
	p0 =	sne.s32 s2, $0x0  }
0x7b: {  	s3 =	rddreg [dreg:$0x2];
	[bflag:$0x3] =	sbarrier.arrive $0xFFFF;
	s2 =	simm.s32 @!p0 $0x1C02  }
0x7c: {  	[timem:s3], [sflag:s2] =	dma.local @!p0 [hbm:s0], s1  }
0x7d: {  	s0 =	simm.s32 @!p0 $0x2  }
0x7e: {  	_ =	swait.ge @!p0 [sflag:s0], s1  }
0x7f: {  	s1 =	ssub.s32 @!p0 $0x0, s1;
	[sflag:s0] =	ssyncset.done @!p0 $0x0  }
0x80: {  	[sflag:s0] =	ssyncadd.s32 @!p0 s1  }
0x81: {  	[bflag:$0x3] =	sbarrier.arrive $0xFFFF  }
0x82: {  	_ =	shalt  }

</sc_bundles>
